<compile_context>
chip_gen: v7x
topology: tpu7x:2x2x1
jax: 0.10.2.dev20260603
libtpu: 0.0.44.dev20260713+nightly
codegen_flags: <defaults>
</compile_context>

<pallas_src>
import functools

import jax
import jax.numpy as jnp
from jax import lax
from jax.experimental import pallas as pl
from jax.experimental.pallas import tpu as pltpu
from jax.experimental.pallas import tpu_sc as plsc

_K = 1024
_D = 64
_B = 16
_H = 32
_W = 32
_BETA = 0.25
_HW = _H * _W
_N = _B * _HW

_NW = 32
_RPW = _N // _NW


def _vq_body(z_ref, cb_ref, idx_ref, loss_ref):
    zb = z_ref[0]
    cb = cb_ref[...]
    z2 = jnp.sum(zb * zb, axis=0, keepdims=True)
    c2 = jnp.sum(cb * cb, axis=1, keepdims=True)
    s2 = jax.lax.dot_general(
        cb, zb + zb, (((1,), (0,)), ((), ())),
        preferred_element_type=jnp.float32)
    d = (z2 + c2) - s2
    dmin = jnp.min(d, axis=0, keepdims=True)
    kio = jax.lax.broadcasted_iota(jnp.int32, d.shape, 0).astype(jnp.float32)
    idxf = jnp.min(jnp.where(d == dmin, kio, float(_K)), axis=0, keepdims=True)
    i = pl.program_id(0)
    idx_ref[pl.ds(i, 1), :] = idxf.astype(jnp.int32)
    part = jnp.sum(dmin).reshape(1, 1)

    @pl.when(i == 0)
    def _init():
        loss_ref[...] = jnp.zeros((1, 1), jnp.float32)

    loss_ref[...] += part

    @pl.when(i == _B - 1)
    def _finish():
        loss_ref[...] = loss_ref[...] * ((1.0 + _BETA) / float(_N * _D))


def _gather_body(table_hbm, idx_hbm, out_hbm, idx_v, rows_v, sem):
    wid = lax.axis_index("s") * 2 + lax.axis_index("c")
    base = wid * _RPW
    pltpu.sync_copy(idx_hbm.at[pl.ds(base, _RPW)], idx_v)
    pltpu.async_copy(table_hbm.at[idx_v], rows_v, sem).wait()
    pltpu.sync_copy(rows_v, out_hbm.at[pl.ds(base, _RPW)])


def kernel(z, codebook):
    Bz, Dz, Hz, Wz = z.shape
    z3 = z.reshape(Bz, Dz, Hz * Wz)
    indices, loss11 = pl.pallas_call(
        _vq_body,
        grid=(_B,),
        in_specs=[
            pl.BlockSpec((1, _D, _HW), lambda i: (i, 0, 0)),
            pl.BlockSpec((_K, _D), lambda i: (0, 0)),
        ],
        out_specs=[
            pl.BlockSpec((_B, _HW), lambda i: (0, 0)),
            pl.BlockSpec((1, 1), lambda i: (0, 0)),
        ],
        out_shape=[
            jax.ShapeDtypeStruct((_B, _HW), jnp.int32),
            jax.ShapeDtypeStruct((1, 1), jnp.float32),
        ],
    )(z3, codebook)

    sc_gather = functools.partial(
        pl.kernel,
        mesh=plsc.VectorSubcoreMesh(core_axis_name="c", subcore_axis_name="s"),
        out_type=jax.ShapeDtypeStruct((_N, 128), jnp.float32),
        scratch_types=[
            pltpu.VMEM((_RPW,), jnp.int32),
            pltpu.VMEM((_RPW, 128), jnp.float32),
            pltpu.SemaphoreType.DMA,
        ],
    )(_gather_body)
    cb_pad = jnp.pad(codebook, ((0, 0), (0, 128 - _D)))
    zq_rows = sc_gather(cb_pad, indices.reshape(_N))

    z_q_st = jnp.transpose(
        zq_rows[:, :_D].reshape(Bz, Hz, Wz, Dz), (0, 3, 1, 2))
    return (z_q_st, loss11[0, 0], indices)

# --- scband reference (transcript-rebuilt; emitter-appended) ---
"""Pipeline reference for scband-vector-quantizer-48387101557426 (READ-ONLY COPY).

The authoritative reference and input builder live on the scoring server;
editing this copy changes nothing except your own understanding.
"""

import jax, jax.numpy as jnp
import numpy as np

K = 1024
D = 64
B = 16
H = 32
W = 32
BETA = 0.25


def setup_inputs(seed: int = 0) -> dict:
    key = jax.random.key(seed)
    k1, k2 = jax.random.split(key)
    z = jax.random.normal(k1, (B, D, H, W), dtype=jnp.float32)
    codebook = jax.random.uniform(k2, (K, D), minval=-1.0 / K, maxval=1.0 / K, dtype=jnp.float32)
    return {"z": z, "codebook": codebook}


def reference(z, codebook):
    Bz, Dz, Hz, Wz = z.shape
    # (B, D, H, W) -> (B, H, W, D) -> (B*H*W, D)
    z_flat = jnp.transpose(z, (0, 2, 3, 1)).reshape(-1, Dz)
    # squared L2 distances to all codebook entries
    distances = (
        jnp.sum(z_flat ** 2, axis=1, keepdims=True)
        + jnp.sum(codebook ** 2, axis=1)
        - 2.0 * (z_flat @ codebook.T)
    )
    encoding_indices = jnp.argmin(distances, axis=1)
    z_q = jnp.take(codebook, encoding_indices, axis=0)
    z_q = jnp.transpose(z_q.reshape(Bz, Hz, Wz, Dz), (0, 3, 1, 2))
    vq_loss = jnp.mean((jax.lax.stop_gradient(z_q) - z) ** 2)
    commitment_loss = jnp.mean((z_q - jax.lax.stop_gradient(z)) ** 2)
    loss = vq_loss + BETA * commitment_loss
    # straight-through estimator
    z_q_st = z + jax.lax.stop_gradient(z_q - z)
    return (z_q_st, loss, encoding_indices.reshape(Bz, Hz * Wz))

if __name__ == "__main__":
    import jax
    _d = setup_inputs()
    print(jax.jit(kernel)(*tuple(_d.values())))

</pallas_src>

<mosaic_0001>
#map = affine_map<(d0, d1) -> (0, 0)>
#map1 = affine_map<(d0, d1) -> (0)>
module attributes {stable_mosaic.version = 14 : i64} {
  func.func @_gather_body(%arg0: i32, %arg1: i32, %arg2: memref<1024x128xf32, #tpu.memory_space<hbm>>, %arg3: memref<16384xi32, #tpu.memory_space<hbm>>, %arg4: memref<16384x128xf32, #tpu.memory_space<hbm>>, %arg5: memref<512xi32, #tpu.memory_space<vmem>>, %arg6: memref<512x128xf32, #tpu.memory_space<vmem>>, %arg7: memref<!tpu.dma_semaphore, #tpu.memory_space<semaphore_mem>>) attributes {dimension_semantics = [#tpu.dimension_semantics<core_parallel>, #tpu.dimension_semantics<subcore_parallel>], iteration_bounds = array<i64: 2, 16>, scalar_prefetch = 0 : i64, scratch_operands = 3 : i64, tpu.core_type = #tpu.core_type<sc_vector_subcore>, window_params = [{transform_indices = #map}, {transform_indices = #map1}, {transform_indices = #map}]} {
    %mul3A = arith.constant 2 : i32
    %mul3A_0 = arith.muli %arg1, %mul3A : i32
    %add3A = arith.addi %mul3A_0, %arg0 : i32
    %mul3A_1 = arith.constant 512 : i32
    %mul3A_2 = arith.muli %add3A, %mul3A_1 : i32
    "tpu.region"() ({
      %run_scoped3A = tpu.sem_alloc : memref<!tpu.dma_semaphore, #tpu.memory_space<semaphore_mem>>
      %dma_start3A_7 = tpu.memref_slice %arg3[%mul3A_2] : memref<16384xi32, #tpu.memory_space<hbm>> -> memref<512xi32, #tpu.memory_space<hbm>>
      %dma_start3A_8 = tpu.memref_slice %arg3[%mul3A_2] : memref<16384xi32, #tpu.memory_space<hbm>> -> memref<512xi32, #tpu.memory_space<hbm>>
      tpu.enqueue_dma source(%dma_start3A_8 : memref<512xi32, #tpu.memory_space<hbm>>) target(%arg5 : memref<512xi32, #tpu.memory_space<vmem>>) target_semaphore(%run_scoped3A : memref<!tpu.dma_semaphore, #tpu.memory_space<semaphore_mem>>)
      %dma_wait3A_9 = tpu.memref_slice %arg3[%mul3A_2] : memref<16384xi32, #tpu.memory_space<hbm>> -> memref<512xi32, #tpu.memory_space<hbm>>
      %dma_wait3A_10 = tpu.memref_slice %arg3[%mul3A_2] : memref<16384xi32, #tpu.memory_space<hbm>> -> memref<512xi32, #tpu.memory_space<hbm>>
      tpu.wait_dma2 semaphore(%run_scoped3A : memref<!tpu.dma_semaphore, #tpu.memory_space<semaphore_mem>>) src(%dma_wait3A_10 : memref<512xi32, #tpu.memory_space<hbm>>) dst(%arg5 : memref<512xi32, #tpu.memory_space<vmem>>)
      tpu.yield
    }) : () -> ()
    %dma_start3A = arith.constant 0 : i32
    %dma_start3A_3 = arith.constant 0 : i32
    %dma_start3A_4 = tpu.memref_slice %arg2[%dma_start3A, %dma_start3A_3] : memref<1024x128xf32, #tpu.memory_space<hbm>> -> memref<1024x128xf32, #tpu.memory_space<hbm>>
    tpu.enqueue_indirect_dma source(%dma_start3A_4 : memref<1024x128xf32, #tpu.memory_space<hbm>>) target(%arg6 : memref<512x128xf32, #tpu.memory_space<vmem>>) offsets(%arg5 : memref<512xi32, #tpu.memory_space<vmem>>) semaphore(%arg7 : memref<!tpu.dma_semaphore, #tpu.memory_space<semaphore_mem>>)
    %dma_wait3A = arith.constant 0 : i32
    %dma_wait3A_5 = arith.constant 0 : i32
    %dma_wait3A_6 = tpu.memref_slice %arg2[%dma_wait3A, %dma_wait3A_5] : memref<1024x128xf32, #tpu.memory_space<hbm>> -> memref<1024x128xf32, #tpu.memory_space<hbm>>
    tpu.wait_indirect_dma semaphore(%arg7 : memref<!tpu.dma_semaphore, #tpu.memory_space<semaphore_mem>>) src(%dma_wait3A_6 : memref<1024x128xf32, #tpu.memory_space<hbm>>) dst(%arg6 : memref<512x128xf32, #tpu.memory_space<vmem>>)
    "tpu.region"() ({
      %run_scoped3A = tpu.sem_alloc : memref<!tpu.dma_semaphore, #tpu.memory_space<semaphore_mem>>
      %dma_start3A_7 = arith.constant 0 : i32
      %dma_start3A_8 = tpu.memref_slice %arg4[%mul3A_2, %dma_start3A_7] : memref<16384x128xf32, #tpu.memory_space<hbm>> -> memref<512x128xf32, #tpu.memory_space<hbm>>
      %dma_start3A_9 = arith.constant 0 : i32
      %dma_start3A_10 = tpu.memref_slice %arg4[%mul3A_2, %dma_start3A_9] : memref<16384x128xf32, #tpu.memory_space<hbm>> -> memref<512x128xf32, #tpu.memory_space<hbm>>
      tpu.enqueue_dma source(%arg6 : memref<512x128xf32, #tpu.memory_space<vmem>>) target(%dma_start3A_10 : memref<512x128xf32, #tpu.memory_space<hbm>>) target_semaphore(%run_scoped3A : memref<!tpu.dma_semaphore, #tpu.memory_space<semaphore_mem>>)
      %dma_wait3A_11 = arith.constant 0 : i32
      %dma_wait3A_12 = tpu.memref_slice %arg4[%mul3A_2, %dma_wait3A_11] : memref<16384x128xf32, #tpu.memory_space<hbm>> -> memref<512x128xf32, #tpu.memory_space<hbm>>
      %dma_wait3A_13 = arith.constant 0 : i32
      %dma_wait3A_14 = tpu.memref_slice %arg4[%mul3A_2, %dma_wait3A_13] : memref<16384x128xf32, #tpu.memory_space<hbm>> -> memref<512x128xf32, #tpu.memory_space<hbm>>
      tpu.wait_dma2 semaphore(%run_scoped3A : memref<!tpu.dma_semaphore, #tpu.memory_space<semaphore_mem>>) src(%arg6 : memref<512x128xf32, #tpu.memory_space<vmem>>) dst(%dma_wait3A_14 : memref<512x128xf32, #tpu.memory_space<hbm>>)
      tpu.yield
    }) : () -> ()
    return
  }
}

module attributes {stable_mosaic.version = 14 : i64} {
  func.func @_vq_body(%arg0: i32, %arg1: memref<1x64x1024xf32, #tpu.memory_space<vmem>>, %arg2: memref<1024x64xf32, #tpu.memory_space<vmem>>, %arg3: memref<16x1024xi32, #tpu.memory_space<vmem>>, %arg4: memref<1x1xf32, #tpu.memory_space<vmem>>) attributes {dimension_semantics = [#tpu.dimension_semantics<arbitrary>], iteration_bounds = array<i64: 16>, scalar_prefetch = 0 : i64, scratch_operands = 0 : i64, tpu.core_type = #tpu.core_type<tc>, window_params = [{transform_indices = @transform_0, window_bounds = array<i64: 1, 64, 1024>}, {pipeline_mode = #tpu.pipeline_mode<synchronous>, transform_indices = @transform_1, window_bounds = array<i64: 1024, 64>}, {pipeline_mode = #tpu.pipeline_mode<synchronous>, transform_indices = @transform_2, window_bounds = array<i64: 16, 1024>}, {pipeline_mode = #tpu.pipeline_mode<synchronous>, transform_indices = @transform_3, window_bounds = array<i64: 1, 1>}]} {
    %get3A = arith.constant 0 : index
    %get3A_0 = arith.constant 0 : index
    %get3A_1 = arith.constant 0 : index
    %get3A_2 = vector.load %arg1[%get3A, %get3A_0, %get3A_1] : memref<1x64x1024xf32, #tpu.memory_space<vmem>>, vector<1x64x1024xf32>
    %get3A_3 = vector.shape_cast %get3A_2 : vector<1x64x1024xf32> to vector<64x1024xf32>
    %get3A_4 = arith.constant 0 : index
    %get3A_5 = arith.constant 0 : index
    %get3A_6 = vector.load %arg2[%get3A_4, %get3A_5] : memref<1024x64xf32, #tpu.memory_space<vmem>>, vector<1024x64xf32>
    %mul3A = arith.mulf %get3A_3, %get3A_3 : vector<64x1024xf32>
    %reduce_sum3A = arith.constant dense<0.000000e+00> : vector<1024xf32>
    %reduce_sum3A_7 = vector.multi_reduction <add>, %mul3A, %reduce_sum3A [0] : vector<64x1024xf32> to vector<1024xf32>
    %broadcast_in_dim3A = vector.shape_cast %reduce_sum3A_7 : vector<1024xf32> to vector<1x1024xf32>
    %mul3A_8 = arith.mulf %get3A_6, %get3A_6 : vector<1024x64xf32>
    %reduce_sum3A_9 = arith.constant dense<0.000000e+00> : vector<1024xf32>
    %reduce_sum3A_10 = vector.multi_reduction <add>, %mul3A_8, %reduce_sum3A_9 [1] : vector<1024x64xf32> to vector<1024xf32>
    %broadcast_in_dim3A_11 = vector.shape_cast %reduce_sum3A_10 : vector<1024xf32> to vector<1024x1xf32>
    %add3A = arith.addf %get3A_3, %get3A_3 : vector<64x1024xf32>
    %dot_general3A = arith.constant dense<0.000000e+00> : vector<1024x1024xf32>
    %dot_general3A_12 = tpu.matmul %get3A_6, %add3A, %dot_general3A {dimension_numbers = #tpu.dot_dimension_numbers<[1], [0], [0], [1], [0, 0, 1, 1], [], []>, transpose_lhs_hint = false} : vector<1024x64xf32>, vector<64x1024xf32>, vector<1024x1024xf32> -> vector<1024x1024xf32>
    %add3A_13 = vector.broadcast %broadcast_in_dim3A : vector<1x1024xf32> to vector<1024x1024xf32>
    %add3A_14 = vector.broadcast %broadcast_in_dim3A_11 : vector<1024x1xf32> to vector<1024x1024xf32>
    %add3A_15 = arith.addf %add3A_13, %add3A_14 : vector<1024x1024xf32>
    %sub3A = arith.subf %add3A_15, %dot_general3A_12 : vector<1024x1024xf32>
    %reduce_min3A = arith.constant dense<0x7F800000> : vector<1024xf32>
    %reduce_min3A_16 = vector.multi_reduction <minimumf>, %sub3A, %reduce_min3A [0] : vector<1024x1024xf32> to vector<1024xf32>
    %broadcast_in_dim3A_17 = vector.shape_cast %reduce_min3A_16 : vector<1024xf32> to vector<1x1024xf32>
    %iota3A = tpu.iota {dimensions = array<i32: 0>} : vector<1024x1024xi32>
    %convert_element_type3A = arith.sitofp %iota3A : vector<1024x1024xi32> to vector<1024x1024xf32>
    %eq3A = vector.broadcast %broadcast_in_dim3A_17 : vector<1x1024xf32> to vector<1024x1024xf32>
    %eq3A_18 = arith.cmpf oeq, %sub3A, %eq3A : vector<1024x1024xf32>
    %jit3A = arith.constant 1.024000e+03 : f32
    %broadcast_in_dim3A_19 = vector.broadcast %jit3A : f32 to vector<1024x1024xf32>
    %select_n3A = arith.select %eq3A_18, %convert_element_type3A, %broadcast_in_dim3A_19 : vector<1024x1024xi1>, vector<1024x1024xf32>
    %reduce_min3A_20 = arith.constant dense<0x7F800000> : vector<1024xf32>
    %reduce_min3A_21 = vector.multi_reduction <minimumf>, %select_n3A, %reduce_min3A_20 [0] : vector<1024x1024xf32> to vector<1024xf32>
    %broadcast_in_dim3A_22 = vector.shape_cast %reduce_min3A_21 : vector<1024xf32> to vector<1x1024xf32>
    %convert_element_type3A_23 = arith.fptosi %broadcast_in_dim3A_22 : vector<1x1024xf32> to vector<1x1024xi32>
    %swap3A = arith.index_cast %arg0 : i32 to index
    %swap3A_24 = arith.constant 0 : index
    %swap3A_25 = vector.load %arg3[%swap3A, %swap3A_24] : memref<16x1024xi32, #tpu.memory_space<vmem>>, vector<1x1024xi32>
    tpu.vector_store %arg3[%swap3A, %swap3A_24], %convert_element_type3A_23 {strides = array<i32>} : memref<16x1024xi32, #tpu.memory_space<vmem>>, vector<1x1024xi32>,
    %reduce_sum3A_26 = vector.shape_cast %broadcast_in_dim3A_17 : vector<1x1024xf32> to vector<1x1x1024xf32>
    %reduce_sum3A_27 = arith.constant dense<0.000000e+00> : vector<1xf32>
    %reduce_sum3A_28 = vector.multi_reduction <add>, %reduce_sum3A_26, %reduce_sum3A_27 [1, 2] : vector<1x1x1024xf32> to vector<1xf32>
    %reduce_sum3A_29 = vector.shape_cast %reduce_sum3A_28 : vector<1xf32> to vector<1x1x1xf32>
    %reduce_sum3A_30 = vector.extract %reduce_sum3A_29[0, 0, 0] : f32 from vector<1x1x1xf32>
    %reshape3A = vector.broadcast %reduce_sum3A_30 : f32 to vector<1x1xf32>
    %eq3A_31 = arith.constant 0 : i32
    %eq3A_32 = arith.cmpi eq, %arg0, %eq3A_31 : i32
    %convert_element_type3A_33 = arith.extui %eq3A_32 : i1 to i32
    %cond3A = arith.constant 0 : i32
    %cond3A_34 = arith.cmpi ne, %convert_element_type3A_33, %cond3A : i32
    scf.if %cond3A_34 {
      %broadcast_in_dim3A_47 = arith.constant 0.000000e+00 : f32
      %broadcast_in_dim3A_48 = vector.broadcast %broadcast_in_dim3A_47 : f32 to vector<1x1xf32>
      %swap3A_49 = arith.constant 0 : index
      %swap3A_50 = arith.constant 0 : index
      %swap3A_51 = vector.load %arg4[%swap3A_49, %swap3A_50] : memref<1x1xf32, #tpu.memory_space<vmem>>, vector<1x1xf32>
      tpu.vector_store %arg4[%swap3A_49, %swap3A_50], %broadcast_in_dim3A_48 {strides = array<i32>} : memref<1x1xf32, #tpu.memory_space<vmem>>, vector<1x1xf32>,
    } else {
    }
    %get3A_35 = arith.constant 0 : index
    %get3A_36 = arith.constant 0 : index
    %get3A_37 = vector.load %arg4[%get3A_35, %get3A_36] : memref<1x1xf32, #tpu.memory_space<vmem>>, vector<1x1xf32>
    %add3A_38 = arith.addf %get3A_37, %reshape3A : vector<1x1xf32>
    %swap3A_39 = arith.constant 0 : index
    %swap3A_40 = arith.constant 0 : index
    %swap3A_41 = vector.load %arg4[%swap3A_39, %swap3A_40] : memref<1x1xf32, #tpu.memory_space<vmem>>, vector<1x1xf32>
    tpu.vector_store %arg4[%swap3A_39, %swap3A_40], %add3A_38 {strides = array<i32>} : memref<1x1xf32, #tpu.memory_space<vmem>>, vector<1x1xf32>,
    %eq3A_42 = arith.constant 15 : i32
    %eq3A_43 = arith.cmpi eq, %arg0, %eq3A_42 : i32
    %convert_element_type3A_44 = arith.extui %eq3A_43 : i1 to i32
    %cond3A_45 = arith.constant 0 : i32
    %cond3A_46 = arith.cmpi ne, %convert_element_type3A_44, %cond3A_45 : i32
    scf.if %cond3A_46 {
      %get3A_47 = arith.constant 0 : index
      %get3A_48 = arith.constant 0 : index
      %get3A_49 = vector.load %arg4[%get3A_47, %get3A_48] : memref<1x1xf32, #tpu.memory_space<vmem>>, vector<1x1xf32>
      %mul3A_50 = arith.constant 1.1920929E-6 : f32
      %mul3A_51 = vector.broadcast %mul3A_50 : f32 to vector<1x1xf32>
      %mul3A_52 = arith.mulf %get3A_49, %mul3A_51 : vector<1x1xf32>
      %swap3A_53 = arith.constant 0 : index
      %swap3A_54 = arith.constant 0 : index
      %swap3A_55 = vector.load %arg4[%swap3A_53, %swap3A_54] : memref<1x1xf32, #tpu.memory_space<vmem>>, vector<1x1xf32>
      tpu.vector_store %arg4[%swap3A_53, %swap3A_54], %mul3A_52 {strides = array<i32>} : memref<1x1xf32, #tpu.memory_space<vmem>>, vector<1x1xf32>,
    } else {
    }
    return
  }
  func.func @transform_0(%arg0: i32) -> (i32, i32, i32) {
    %c0_i32 = arith.constant 0 : i32
    %c0_i32_0 = arith.constant 0 : i32
    %c0_i32_1 = arith.constant 0 : i32
    return %arg0, %c0_i32, %c0_i32_0 : i32, i32, i32
  }
  func.func @transform_1(%arg0: i32) -> (i32, i32) {
    %c0_i32 = arith.constant 0 : i32
    %c0_i32_0 = arith.constant 0 : i32
    %c0_i32_1 = arith.constant 0 : i32
    return %c0_i32, %c0_i32_0 : i32, i32
  }
  func.func @transform_2(%arg0: i32) -> (i32, i32) {
    %c0_i32 = arith.constant 0 : i32
    %c0_i32_0 = arith.constant 0 : i32
    %c0_i32_1 = arith.constant 0 : i32
    return %c0_i32, %c0_i32_0 : i32, i32
  }
  func.func @transform_3(%arg0: i32) -> (i32, i32) {
    %c0_i32 = arith.constant 0 : i32
    %c0_i32_0 = arith.constant 0 : i32
    %c0_i32_1 = arith.constant 0 : i32
    return %c0_i32, %c0_i32_0 : i32, i32
  }
}

</mosaic_0001>

<sc_bundles>
// kernel: kernel.4.cloned.1.call-start
scs
__scs_entry_jumppad:
0x0: {  	(pc) =	sbr.rel $0x88, $3  }
0x1: {  	(tag) =	ssettag $0x0;
	lr =	simm.s32 $0x1  }
0x2: {  	[smem:$0x3F9F] =	sst lr;
	_ =	strace $0xD0000000  }
0x3: {  	_ = 	snop  }
0x4: {  	_ = 	snop  }
0x5: {  	_ = 	snop  }
0x6: {  	_ = 	snop  }
0x7: {  	_ = 	snop  }
__scs_overlays_trampoline_lowered:
0x8: {  	[smem:$0x3FAE] =	sst s0  }
0x9: {  	[smem:$0x3FAF] =	sst s1  }
0xa: {  	[smem:$0x3FB0] =	sst s2  }
0xb: {  	[smem:$0x3FB1] =	sst s3  }
0xc: {  	[smem:$0x3FB2] =	sst s4  }
0xd: {  	[smem:$0x3FB3] =	sst s5  }
0xe: {  	[smem:$0x3FB4] =	sst s6  }
0xf: {  	[smem:$0x3FB5] =	sst s7  }
0x10: {  	[smem:$0x3FB6] =	sst s8  }
0x11: {  	[smem:$0x3FB7] =	sst s9;
	s0 =	simm.s32 @!p0 $0x0  }
0x12: {  	s1 =	sld [smem:$0x3F9D];
	s0 =	simm.s32 @p0 $0x1  }
0x13: {  	[smem:$0x3FB8] =	sst s0;
	s0 =	simm.s32 @!p1 $0x0  }
0x14: {  	s2 =	sld [smem:$0x3F9C];
	s0 =	simm.s32 @p1 $0x1  }
0x15: {  	[smem:$0x3FB9] =	sst s0;
	s0 =	simm.s32 @!p2 $0x0  }
0x16: {  	s3 =	sld [smem:$0x3FDB];
	s0 =	simm.s32 @p2 $0x1  }
0x17: {  	s4 =	simm.s32 $0x1BF5;
	[smem:$0x3FBB] =	sst s0  }
0x18: {  	s0 =	sld [smem:$0x3F9E];
	_ =	swait.ge [sflag:s4], $0x0  }
0x19: {  	s7 =	sld [smem:$0x3F9F]  }
0x1a: {  	s8 =	sadd.s32 $0xFFFFE003, lr  }
0x1b: {  	s9 =	sadd.s32 $0xFFFFFEF7, lr;
	s5 =	simm.s32 $0xFFFFFFFF;
	p2 =	slt.u32 s8, $0xFFFFF086  }
0x1c: {  	p1 =	slt.u32 s9, $0xF7A;
	s5 =	simm.s32 @!p2 $0x0  }
0x1d: {  	s5 =	simm.s32 @p1 $0x1;
	p0 =	seq.s32 s7, s2  }
0x1e: {  	s7 =	smul.u32 @!p0 $0xF7A, s2;
	p2 =	seq.s32 @!p0 s5, $0x0  }
0x1f: {  	s9 =	smul.u32 $0xF7A, s1;
	s8 =	simm.s32 @!p0 $0x1BF5;
	p2 =	por !p2, p0  }
0x20: {  	[sflag:s8] =	ssyncset.s32 @!p0 $0xFFFFF086;
	s6 =	sadd.s32 @!p0 s3, s7;
	s7 =	simm.s32 @!p0 $0x108  }
0x21: {  	s3 =	sadd.s32 s3, s9;
	s6 =	sadd.s32 @!p0 $0x88, s6;
	s7 =	simm.s32 @p2 $0x1082  }
0x22: {  	[simem:s7], [sflag:s8] =	dma.local @!p0 [hbm:s6], $0xF7A  }
0x23: {  	s9 =	sor.u32 $0xD0000000, s2;
	s6 =	simm.s32 $0x108;
	_ =	swait.ge @!p0 [sflag:s8], $0x0  }
0x24: {  	s3 =	sadd.s32 $0x88, s3;
	s6 =	simm.s32 @!p1 $0x1082;
	[sflag:s4] =	ssyncset.s32 $0xFFFFF086  }
0x25: {  	[simem:s6], [sflag:s4] =	dma.local [hbm:s3], $0xF7A  }
0x26: {  	[smem:$0x3F9F] =	sst s1;
	(tag) =	ssettag s2;
	_ =	strace s9  }
0x27: {  	s1 =	sld [smem:$0x3FAF]  }
0x28: {  	s2 =	sld [smem:$0x3FB0]  }
0x29: {  	s4 =	sld [smem:$0x3FB2]  }
0x2a: {  	p0 =	seq.s32 s5, $0x0;
	s5 =	sld [smem:$0x3FB3]  }
0x2b: {  	s6 =	sld [smem:$0x3FB4]  }
0x2c: {  	s7 =	sld [smem:$0x3FB5]  }
0x2d: {  	s3 =	simm.s32 $0x108;
	s8 =	sld [smem:$0x3FB6]  }
0x2e: {  	s3 =	simm.s32 @!p0 $0x1082;
	s9 =	sld [smem:$0x3FB7]  }
0x2f: {  	lr =	sadd.s32 s0, s3;
	s0 =	sld [smem:$0x3FAE]  }
0x30: {  	s3 =	sld [smem:$0x3FB1]  }
0x31: {  	[smem:$0x3FBA] =	sst s10  }
0x32: {  	s10 =	sld [smem:$0x3FB8];
	_ =	sdelay $0x3  }
0x33: {  	p0 =	seq.s32 s10, $0x1;
	s10 =	sld [smem:$0x3FBA];
	_ =	sdelay $0x3  }
0x34: {  	[smem:$0x3FBA] =	sst s10  }
0x35: {  	s10 =	sld [smem:$0x3FB9];
	_ =	sdelay $0x3  }
0x36: {  	p1 =	seq.s32 s10, $0x1;
	s10 =	sld [smem:$0x3FBA];
	_ =	sdelay $0x3  }
0x37: {  	[smem:$0x3FBA] =	sst s10  }
0x38: {  	s10 =	sld [smem:$0x3FBB]  }
0x39: {  	_ = 	snop;
	(pc) =	sbr.ind lr, $3  }
0x3a: {  	_ = 	snop  }
0x3b: {  	_ = 	snop  }
0x3c: {  	p2 =	seq.s32 s10, $0x1;
	s10 =	sld [smem:$0x3FBA]  }
0x3d: {  	_ =	shalt  }
0x3e: {  	_ =	shalt  }
0x3f: {  	_ =	shalt  }
0x40: {  	_ =	shalt  }
0x41: {  	_ =	shalt  }
0x42: {  	_ =	shalt  }
0x43: {  	_ =	shalt  }
0x44: {  	_ =	shalt  }
0x45: {  	_ =	shalt  }
0x46: {  	_ =	shalt  }
0x47: {  	_ =	shalt  }
0x48: {  	_ =	shalt  }
0x49: {  	_ =	shalt  }
0x4a: {  	_ =	shalt  }
0x4b: {  	_ =	shalt  }
0x4c: {  	_ =	shalt  }
0x4d: {  	_ =	shalt  }
0x4e: {  	_ =	shalt  }
0x4f: {  	_ =	shalt  }
0x50: {  	_ =	shalt  }
0x51: {  	_ =	shalt  }
0x52: {  	_ =	shalt  }
0x53: {  	_ =	shalt  }
0x54: {  	_ =	shalt  }
0x55: {  	_ =	shalt  }
0x56: {  	_ =	shalt  }
0x57: {  	_ =	shalt  }
0x58: {  	_ =	shalt  }
0x59: {  	_ =	shalt  }
0x5a: {  	_ =	shalt  }
0x5b: {  	_ =	shalt  }
0x5c: {  	_ =	shalt  }
0x5d: {  	_ =	shalt  }
0x5e: {  	_ =	shalt  }
0x5f: {  	_ =	shalt  }
0x60: {  	_ =	shalt  }
0x61: {  	_ =	shalt  }
0x62: {  	_ =	shalt  }
0x63: {  	_ =	shalt  }
0x64: {  	_ =	shalt  }
0x65: {  	_ =	shalt  }
0x66: {  	_ =	shalt  }
0x67: {  	_ =	shalt  }
0x68: {  	_ =	shalt  }
0x69: {  	_ =	shalt  }
0x6a: {  	_ =	shalt  }
0x6b: {  	_ =	shalt  }
0x6c: {  	_ =	shalt  }
0x6d: {  	_ =	shalt  }
0x6e: {  	_ =	shalt  }
0x6f: {  	_ =	shalt  }
0x70: {  	_ =	shalt  }
0x71: {  	_ =	shalt  }
0x72: {  	_ =	shalt  }
0x73: {  	_ =	shalt  }
0x74: {  	_ =	shalt  }
0x75: {  	_ =	shalt  }
0x76: {  	_ =	shalt  }
0x77: {  	_ =	shalt  }
0x78: {  	_ =	shalt  }
0x79: {  	_ =	shalt  }
0x7a: {  	_ =	shalt  }
0x7b: {  	_ =	shalt  }
0x7c: {  	_ =	shalt  }
0x7d: {  	_ =	shalt  }
0x7e: {  	_ =	shalt  }
0x7f: {  	_ =	shalt  }
0x80: {  	_ =	shalt  }
0x81: {  	_ =	shalt  }
0x82: {  	_ =	shalt  }
0x83: {  	_ =	shalt  }
0x84: {  	_ =	shalt  }
0x85: {  	_ =	shalt  }
0x86: {  	_ =	shalt  }
0x87: {  	_ =	shalt  }
.Lfunc_end0:
.L_simem_size_0:
called_computation_lowered:
.L_overlay_start_0:
0x88: {  	s2 =	sld [smem:$0x3FD9]  }
0x89: {  	s3 =	sld [smem:$0x3FFE];
	_ =	sdelay $0x1  }
0x8a: {  	s1 =	srdreg.scid  }
0x8b: {  	s0 =	sand.u32 $0x1, s1  }
0x8c: {  	s14 =	sshll.u32 s0, $0xA;
	s2 =	sadd.s32 s3, s2  }
0x8d: {  	s2 =	sadd.s32 s2, s14  }
0x8e: {  	[smem:$0x3FC6] =	sst s2  }
0x8f: {  	_ = 	snop  }
0x90: {  	s2 =	sld [smem:$0x3FD0];
	_ =	sdelay $0x2  }
0x91: {  	s15 =	simm.s32 $0xA;
	s4 =	simm.s32 $0x10  }
0x92: {  	[smem:s4], [sflag:s15] =	dma.local [hbm:s2], $0x1  }
0x93: {  	_ =	swait.eq [sflag:s15], $0x1  }
0x94: {  	[sflag:s15] =	ssyncset.done $0x0  }
0x95: {  	[sflag:s15] =	ssyncadd.s32 $0xFFFFFFFF  }
0x96: {  	s16 =	sld [smem:$0x10];
	(tm) =	ssettm $0x1  }
0x97: {  	s17 =	sld [smem:$0x3FFB];
	_ =	sdelay $0x3  }
0x98: {  	_ =	strace s17  }
0x99: {  	s3 =	sld [smem:$0x3FFC];
	_ =	sdelay $0x3  }
0x9a: {  	_ =	strace s3  }
0x9b: {  	s3 =	sld [smem:$0x3FFD];
	_ =	sdelay $0x3  }
0x9c: {  	_ =	strace s3  }
0x9d: {  	_ =	strace $0x8FFFFFFF  }
0x9e: {  	s18 =	sld [smem:$0x3FDB];
	_ =	sdelay $0x1  }
0x9f: {  	s19 =	simm.s32 $_scs_section_size  }
0xa0: {  	s5 =	simm.s32 $_size__tile_overlayer_lowered;
	s6 =	simm.s32 $_tile_overlayer_lowered  }
0xa1: {  	s22 =	simm.s32 $0x1BFF;
	s21 =	sshll.u32 s6, $0x1;
	s3 =	sadd.s32 s19, s18  }
0xa2: {  	s7 =	simm.s32 $0x0;
	s20 =	sshll.u32 s5, $0x1;
	s5 =	sadd.s32 s21, s3  }
0xa3: {  	[timem:s7], [sflag:s22] =	dma.local [hbm:s5], s20  }
0xa4: {  	_ =	swait.ge [sflag:s22], s20  }
0xa5: {  	s4 =	ssub.s32 $0x0, s20;
	[sflag:s22] =	ssyncset.done $0x0  }
0xa6: {  	[sflag:s22] =	ssyncadd.s32 s4;
	_ =	sdelay $0x1  }
0xa7: {  	s23 =	simm.s32 $0x1B8B  }
0xa8: {  	_ =	swait.ge [sflag:s23], $0x1  }
0xa9: {  	[sflag:s23] =	ssyncset.done $0x0  }
0xaa: {  	s25 =	simm.s32 $0x1B8E;
	s24 =	sld [smem:$0x3FFE];
	[sflag:s23] =	ssyncadd.s32 $0xFFFFFFFF  }
0xab: {  	s26 =	simm.s32 $execute0_lowered;
	[smem:$0x3FD2] =	sst s25  }
0xac: {  	s5 =	sshll.u32 s26, $0x1;
	_ =	strace $0x80000046;
	[dreg:$0x1] =	wrdreg $0xFFFFFFFF  }
0xad: {  	s28 =	simm.s32 $_size_execute0_lowered;
	s3 =	sadd.s32 s3, s5;
	[dreg:$0x0] =	wrdreg $0x0  }
0xae: {  	s5 =	sshll.u32 s28, $0x1;
	[dreg:$0x2] =	wrdreg s3  }
0xaf: {  	[dreg:$0x3] =	wrdreg s5  }
0xb0: {  	[dreg:$0x4] =	wrdreg $0xC0  }
0xb1: {  	_ =	task [dreg:s7], $0x5FFFF  }
0xb2: {  	[dreg:$0x1] =	wrdreg $0xFFFFFFFF  }
0xb3: {  	[dreg:$0x0] =	wrdreg $0x60  }
0xb4: {  	[dreg:$0x2] =	wrdreg s24  }
0xb5: {  	[dreg:$0x3] =	wrdreg s16  }
0xb6: {  	[dreg:$0x4] =	wrdreg $0x9  }
0xb7: {  	_ =	task.clear_ibuf [dreg:s7], $0x5FFFF;
	_ =	strace $0x90000046  }
0xb8: {  	s29 =	simm.s32 $0x9;
	_ =	strace $0x80000048  }
0xb9: {  	_ =	swait.ge [sflag:s29], $0x1  }
0xba: {  	[sflag:s29] =	ssyncadd.s32 $0xFFFFFFFF  }
0xbb: {  	_ =	strace $0x90000048  }
0xbc: {  	_ =	sfence  }
0xbd: {  	s30 =	sld [smem:$0x0];
	_ =	sdelay $0x2  }
0xbe: {  	s31 =	sshll.u32 s1, $0xD;
	s1 =	sshrl.u32 s1, $0x2  }
0xbf: {  	s3 =	sand.u32 $0x4000, s31;
	s1 =	sadd.s32 s1, s30  }
0xc0: {  	s0 =	sor.u32 s3, s0;
	s1 =	sshll.u32 s1, $0x11  }
0xc1: {  	s0 =	sor.u32 s1, s0  }
0xc2: {  	s0 =	sadd.s32 $0x8F2B, s0  }
0xc3: {  	[sflag:s0] =	ssyncadd.remote.s32 $0x1  }
0xc4: {  	_ =	sfence.sel $0xFFFF  }
0xc5: {  	[dreg:$0x0] =	wrdreg $0xFFFFFFFF;
	(pc) =	sbr.abs _section_cstart, $3  }
0xc6: {  	[dreg:$0x1] =	wrdreg $0xFFFFFFFF  }
0xc7: {  	_ =	task.clear_ibuf [dreg:s7], $0x2FFFF;
	_ =	strace $0x9FFFFFFF  }
0xc8: {  	(tm) =	ssettm $0x7FFFFFFF  }
0xc9: {  	_ =	shalt  }
tec
execute0_lowered:
.L_overlay_start_1:
0x0: {  	(tag) =	ssettag $0x1  }
0x1: {  	s1 =	srdreg.scid  }
0x2: {  	s0 =	stileid.u32;
	s6 =	sand.u32 $0x1, s1  }
0x3: {  	s5 =	rddreg [dreg:$0x0];
	s30 =	sshll.u32 s0, $0xA;
	s2 =	sshll.u32 s6, $0x9  }
0x4: {  	s8 =	rddreg [dreg:$0x1];
	s9 =	sor.u32 s2, s30  }
0x5: {  	s1 =	rddreg [dreg:$0x2];
	s2 =	simm.s32 $0x0;
	s3 =	sshrl.u32 s9, $0x3  }
0x6: {  	s10 =	ssub.s32 $0x2, s6;
	[smem:$0x7FF] =	sst s2;
	s3 =	sadd.s32 s3, s5  }
0x7: {  	_ =	strace $0x80000047;
	s4 =	sadd.s32 $0x4600, s3;
	s3 =	simm.s32 $0x2  }
0x8: {  	[tilespmem:s2], [sflag:$0x2] =	stream.linear.gather [hbm4b:s4+s2], $0x200, $0x38;
	[tilespmem:$0x10200] =	vst v63  }
0x9: {  	s7 =	simm.s32 $0x1;
	s11 =	sshrl.u32 s10, $0x1;
	_ =	swait.ge [sflag:s3], $0x200  }
0xa: {  	s6 =	simm.s32 $0x200;
	s10 =	ssub.s32 s10, s11;
	[sflag:s3] =	ssyncset.done $0x0  }
0xb: {  	s5 =	sadd.s32 $0x600, s5;
	s31 =	smax.u32 s10, $0x1;
	[sflag:s3] =	ssyncadd.s32 $0xFFFFFE00  }
0xc: {  	[tilespmem:s6], [sflag:$0x1] =	stream.indirect.gather [hbm4b:s5+s6], $0x80, s2, s6, $0xb8;
	[tilespmem:$0x10200] =	vst v63  }
0xd: {  	p0 =	sne.s32 s31, $0x1;
	_ =	swait.ge [sflag:s7], $0x10000  }
.Ltmp0:
0xe: {  	s9 =	sshll.u32 s9, $0x4;
	[sflag:s7] =	ssyncset.done $0x0;
	(pc) =	sbr.rel @!p0 .LBB2_2-.Ltmp0, $4  }
0xf: {  	s8 =	sadd.s32 s8, s9;
	[sflag:s7] =	ssyncadd.s32 $0xFFFF0000  }
0x10: {  	[hbm4b:s8+s2] =	stream.linear.scatter [tilespmem:s6], [sflag:$0x2], $0x10000, $0x38;
	[tilespmem:$0x10200] =	vst v63  }
0x11: {  	_ =	swait.ge [sflag:s3], $0x10000  }
0x12: {  	s9 =	sadd.s32 $0xFFFFFFFF, s31;
	[sflag:s3] =	ssyncset.done $0x0  }
.LBB2_1:
0x13: {  	p0 =	sne.s32 s9, $0x1;
	s9 =	sadd.s32 $0xFFFFFFFF, s9;
	[sflag:s3] =	ssyncadd.s32 $0xFFFF0000  }
0x14: {  	[tilespmem:s2], [sflag:$0x2] =	stream.linear.gather [hbm4b:s4+s2], $0x200, $0x38;
	[tilespmem:$0x10200] =	vst v63  }
0x15: {  	_ =	swait.ge [sflag:s3], $0x200  }
0x16: {  	[sflag:s3] =	ssyncset.done $0x0  }
0x17: {  	[sflag:s3] =	ssyncadd.s32 $0xFFFFFE00  }
0x18: {  	[tilespmem:s6], [sflag:$0x1] =	stream.indirect.gather [hbm4b:s5+s6], $0x80, s2, s6, $0xb8;
	[tilespmem:$0x10200] =	vst v63  }
0x19: {  	_ =	swait.ge [sflag:s7], $0x10000  }
.Ltmp1:
0x1a: {  	[sflag:s7] =	ssyncset.done $0x0;
	(pc) =	sbr.rel @p0 .LBB2_1-.Ltmp1, $4  }
0x1b: {  	[sflag:s7] =	ssyncadd.s32 $0xFFFF0000  }
0x1c: {  	[hbm4b:s8+s2] =	stream.linear.scatter [tilespmem:s6], [sflag:$0x2], $0x10000, $0x38;
	[tilespmem:$0x10200] =	vst v63  }
0x1d: {  	_ =	swait.ge [sflag:s3], $0x10000  }
0x1e: {  	[sflag:s3] =	ssyncset.done $0x0  }
.LBB2_2:
0x1f: {  	[sflag:s3] =	ssyncadd.s32 $0xFFFF0000  }
0x20: {  	_ =	sfence.sel $0x180000  }
0x21: {  	[bflag:$0x0] =	sbarrier.arrive $0xFFFF  }
0x22: {  	p0 =	sne.s32 s0, $0x0;
	_ =	strace $0x90000047  }
0x23: {  	s0 =	sadd.s32 @!p0 $0x100000, s1;
	[bflag:$0x2] =	sbarrier.arrive $0xFFFF  }
0x24: {  	[sflag:s0] =	ssyncadd.tile.s32 @!p0 $0x1;
	_ =	shalt  }
.Lfunc_end2:
_tile_overlayer_lowered:
.L_overlay_start_2:
0x25: {  	(tag) =	ssettag $0x2  }
0x26: {  	s0 =	rddreg [dreg:$0x0];
	s2 =	stileid.u32  }
0x27: {  	s1 =	rddreg [dreg:$0x1];
	p0 =	sne.s32 s2, $0x0  }
0x28: {  	s3 =	rddreg [dreg:$0x2];
	[bflag:$0x3] =	sbarrier.arrive $0xFFFF;
	s2 =	simm.s32 @!p0 $0x1C02  }
0x29: {  	[timem:s3], [sflag:s2] =	dma.local @!p0 [hbm:s0], s1  }
0x2a: {  	s0 =	simm.s32 @!p0 $0x2  }
0x2b: {  	_ =	swait.ge @!p0 [sflag:s0], s1  }
0x2c: {  	s1 =	ssub.s32 @!p0 $0x0, s1;
	[sflag:s0] =	ssyncset.done @!p0 $0x0  }
0x2d: {  	[sflag:s0] =	ssyncadd.s32 @!p0 s1  }
0x2e: {  	[bflag:$0x3] =	sbarrier.arrive $0xFFFF  }
0x2f: {  	_ =	shalt  }

</sc_bundles>
